<compile_context>
chip_gen: v7x
topology: tpu7x:2x2x1
jax: 0.10.2.dev20260603
libtpu: 0.0.44.dev20260713+nightly
codegen_flags: <defaults>
</compile_context>

<pallas_src>
import functools

import jax
import jax.numpy as jnp
from jax import lax
from jax.experimental import pallas as pl
from jax.experimental.pallas import tpu as pltpu
from jax.experimental.pallas import tpu_sc as plsc

N = 65536
C = 1000
BLK = 512

NW = 32
SC_BASE = N // 2
SC_ROWS = N // 2
RPW = SC_ROWS // NW
CH = 32
NCH = RPW // CH


def _sc_probe_body(x_hbm, out_hbm, buf0, buf1, oacc, sem0, sem1):
    wid = lax.axis_index("s") * 2 + lax.axis_index("c")
    base = SC_BASE + wid * RPW

    pltpu.async_copy(x_hbm.at[pl.ds(base, CH), :], buf0, sem0)
    pltpu.async_copy(x_hbm.at[pl.ds(base + CH, CH), :], buf1, sem1)

    def step(jp, acc):
        pltpu.make_async_copy(x_hbm.at[pl.ds(base, CH), :], buf0, sem0).wait()
        acc = acc + buf0[0, pl.ds(0, 16)]

        @pl.when(2 * jp + 2 < NCH)
        def _():
            pltpu.async_copy(
                x_hbm.at[pl.ds(base + (2 * jp + 2) * CH, CH), :], buf0, sem0)

        pltpu.make_async_copy(x_hbm.at[pl.ds(base, CH), :], buf1, sem1).wait()
        acc = acc + buf1[0, pl.ds(0, 16)]

        @pl.when(2 * jp + 3 < NCH)
        def _():
            pltpu.async_copy(
                x_hbm.at[pl.ds(base + (2 * jp + 3) * CH, CH), :], buf1, sem1)

        return acc

    acc = lax.fori_loop(0, NCH // 2, step, jnp.zeros((16,), jnp.float32))
    oacc[...] = acc
    pltpu.sync_copy(oacc, out_hbm.at[wid])


TC_GRID = (N // 2) // BLK
H = TC_GRID // 4


def _tc_body(*refs):
    ins = refs[:4]
    outs = refs[4:]
    for j in range(4):
        outs[j][0, 0, :] = jnp.sum(ins[j][...], axis=1)


def kernel(class_out, label):
    mesh = plsc.VectorSubcoreMesh(core_axis_name="c", subcore_axis_name="s")
    sc_probe = pl.kernel(
        _sc_probe_body,
        mesh=mesh,
        out_type=jax.ShapeDtypeStruct((NW, 16), jnp.float32),
        scratch_types=[
            pltpu.VMEM((CH, C), jnp.float32),
            pltpu.VMEM((CH, C), jnp.float32),
            pltpu.VMEM((16,), jnp.float32),
            pltpu.SemaphoreType.DMA,
            pltpu.SemaphoreType.DMA,
        ],
    )
    sc_out = sc_probe(class_out)
    sc_out = jax.lax.optimization_barrier(sc_out)

    def mk(off):
        return pl.BlockSpec((BLK, C), lambda i, off=off: (i + off * H, 0))

    tc_parts = pl.pallas_call(
        _tc_body,
        grid=(H,),
        in_specs=[mk(j) for j in range(4)],
        out_specs=[pl.BlockSpec((1, 1, BLK), lambda i: (i, 0, 0))] * 4,
        out_shape=[jax.ShapeDtypeStruct((H, 1, BLK), jnp.float32)] * 4,
    )(*([class_out] * 4))

    return (jnp.sum(sc_out) + sum(jnp.sum(p) for p in tc_parts)
            + jnp.float32(label[0]))

# --- scband reference (transcript-rebuilt; emitter-appended) ---
"""Pipeline reference for scband-class-loss-58110907515732 (READ-ONLY COPY).

The authoritative reference and input builder live on the scoring server;
editing this copy changes nothing except your own understanding.
"""

import jax, jax.numpy as jnp
import numpy as np


def setup_inputs(seed: int = 0) -> dict:
    key = jax.random.key(seed)
    k1, k2 = jax.random.split(key)
    class_out = jax.random.normal(k1, (65536, 1000), dtype=jnp.float32)
    label = jax.random.randint(k2, (65536,), 0, 1000, dtype=jnp.int64)
    return {"class_out": class_out, "label": label}


def reference(class_out, label):
    keep_ratio = 0.7
    zeros = jnp.zeros_like(label)
    ignore_label = jnp.full_like(label, -100)
    label = jnp.where(label < zeros, ignore_label, label)
    ones = jnp.ones_like(label)
    valid_label = jnp.where(label >= zeros, ones, zeros)
    num_valid = jnp.sum(valid_label)
    # label is drawn from [0, 1000), so num_valid == label.shape[0] statically
    keep_num = int(label.shape[0] * keep_ratio)
    # CrossEntropyLoss(ignore_index=-100, reduction='none')
    logp = jax.nn.log_softmax(class_out, axis=-1)
    valid_mask = label >= 0
    safe_label = jnp.where(valid_mask, label, 0)
    per_tok = -jnp.take_along_axis(logp, safe_label[:, None], axis=-1)[:, 0]
    per_tok = jnp.where(valid_mask, per_tok, 0.0)
    loss = jnp.squeeze(per_tok)
    topk_loss, _ = jax.lax.top_k(loss, keep_num)
    return jnp.mean(topk_loss)

if __name__ == "__main__":
    import jax
    _d = setup_inputs()
    print(jax.jit(kernel)(*tuple(_d.values())))

</pallas_src>

<mosaic_0001>
#map = affine_map<(d0, d1) -> (0, 0)>
module attributes {stable_mosaic.version = 14 : i64} {
  func.func @_sc_probe_body(%arg0: i32, %arg1: i32, %arg2: memref<65536x1000xf32, #tpu.memory_space<hbm>>, %arg3: memref<32x16xf32, #tpu.memory_space<hbm>>, %arg4: memref<32x1000xf32, #tpu.memory_space<vmem>>, %arg5: memref<32x1000xf32, #tpu.memory_space<vmem>>, %arg6: memref<16xf32, #tpu.memory_space<vmem>>, %arg7: memref<!tpu.dma_semaphore, #tpu.memory_space<semaphore_mem>>, %arg8: memref<!tpu.dma_semaphore, #tpu.memory_space<semaphore_mem>>) attributes {dimension_semantics = [#tpu.dimension_semantics<core_parallel>, #tpu.dimension_semantics<subcore_parallel>], iteration_bounds = array<i64: 2, 16>, scalar_prefetch = 0 : i64, scratch_operands = 5 : i64, tpu.core_type = #tpu.core_type<sc_vector_subcore>, window_params = [{transform_indices = #map}, {transform_indices = #map}]} {
    %mul3A = arith.constant 2 : i32
    %mul3A_0 = arith.muli %arg1, %mul3A : i32
    %add3A = arith.addi %mul3A_0, %arg0 : i32
    %mul3A_1 = arith.constant 1024 : i32
    %mul3A_2 = arith.muli %add3A, %mul3A_1 : i32
    %add3A_3 = arith.constant 32768 : i32
    %add3A_4 = arith.addi %add3A_3, %mul3A_2 : i32
    %dma_start3A = arith.constant 0 : i32
    %dma_start3A_5 = tpu.memref_slice %arg2[%add3A_4, %dma_start3A] : memref<65536x1000xf32, #tpu.memory_space<hbm>> -> memref<32x1000xf32, #tpu.memory_space<hbm>>
    %dma_start3A_6 = arith.constant 0 : i32
    %dma_start3A_7 = tpu.memref_slice %arg2[%add3A_4, %dma_start3A_6] : memref<65536x1000xf32, #tpu.memory_space<hbm>> -> memref<32x1000xf32, #tpu.memory_space<hbm>>
    tpu.enqueue_dma source(%dma_start3A_7 : memref<32x1000xf32, #tpu.memory_space<hbm>>) target(%arg4 : memref<32x1000xf32, #tpu.memory_space<vmem>>) target_semaphore(%arg7 : memref<!tpu.dma_semaphore, #tpu.memory_space<semaphore_mem>>)
    %add3A_8 = arith.constant 32 : i32
    %add3A_9 = arith.addi %add3A_4, %add3A_8 : i32
    %dma_start3A_10 = arith.constant 0 : i32
    %dma_start3A_11 = tpu.memref_slice %arg2[%add3A_9, %dma_start3A_10] : memref<65536x1000xf32, #tpu.memory_space<hbm>> -> memref<32x1000xf32, #tpu.memory_space<hbm>>
    %dma_start3A_12 = arith.constant 0 : i32
    %dma_start3A_13 = tpu.memref_slice %arg2[%add3A_9, %dma_start3A_12] : memref<65536x1000xf32, #tpu.memory_space<hbm>> -> memref<32x1000xf32, #tpu.memory_space<hbm>>
    tpu.enqueue_dma source(%dma_start3A_13 : memref<32x1000xf32, #tpu.memory_space<hbm>>) target(%arg5 : memref<32x1000xf32, #tpu.memory_space<vmem>>) target_semaphore(%arg8 : memref<!tpu.dma_semaphore, #tpu.memory_space<semaphore_mem>>)
    %broadcast_in_dim3A = arith.constant 0.000000e+00 : f32
    %broadcast_in_dim3A_14 = vector.broadcast %broadcast_in_dim3A : f32 to vector<16xf32>
    %scan3A = arith.constant 0 : i32
    %scan3A_15 = arith.constant 16 : i32
    %scan3A_16 = arith.addi %scan3A, %scan3A_15 : i32
    %scan3A_17 = arith.constant 1 : i32
    %scan3A_18 = scf.for %scan3A_23 = %scan3A to %scan3A_16 step %scan3A_17 iter_args(%scan3A_24 = %broadcast_in_dim3A_14) -> (vector<16xf32>)  : i32 {
      %dma_wait3A = arith.constant 0 : i32
      %dma_wait3A_25 = tpu.memref_slice %arg2[%add3A_4, %dma_wait3A] : memref<65536x1000xf32, #tpu.memory_space<hbm>> -> memref<32x1000xf32, #tpu.memory_space<hbm>>
      %dma_wait3A_26 = arith.constant 0 : i32
      %dma_wait3A_27 = tpu.memref_slice %arg2[%add3A_4, %dma_wait3A_26] : memref<65536x1000xf32, #tpu.memory_space<hbm>> -> memref<32x1000xf32, #tpu.memory_space<hbm>>
      tpu.wait_dma2 semaphore(%arg7 : memref<!tpu.dma_semaphore, #tpu.memory_space<semaphore_mem>>) src(%dma_wait3A_27 : memref<32x1000xf32, #tpu.memory_space<hbm>>) dst(%arg4 : memref<32x1000xf32, #tpu.memory_space<vmem>>)
      %get3A = arith.constant 0 : i32
      %get3A_28 = arith.index_cast %get3A : i32 to index
      %get3A_29 = arith.constant 0 : index
      %get3A_30 = tpu.vector_load %arg4[%get3A_28, %get3A_29] {strides = array<i32>} : memref<32x1000xf32, #tpu.memory_space<vmem>>, vector<1x16xf32>,
      %get3A_31 = vector.shape_cast %get3A_30 : vector<1x16xf32> to vector<16xf32>
      %add3A_32 = arith.addf %scan3A_24, %get3A_31 : vector<16xf32>
      %mul3A_33 = arith.constant 2 : i32
      %mul3A_34 = arith.muli %mul3A_33, %scan3A_23 : i32
      %add3A_35 = arith.constant 2 : i32
      %add3A_36 = arith.addi %mul3A_34, %add3A_35 : i32
      %lt3A = arith.constant 32 : i32
      %lt3A_37 = arith.cmpi slt, %add3A_36, %lt3A : i32
      %convert_element_type3A = arith.extui %lt3A_37 : i1 to i32
      %cond3A = arith.constant 0 : i32
      %cond3A_38 = arith.cmpi ne, %convert_element_type3A, %cond3A : i32
      scf.if %cond3A_38 {
        %mul3A_58 = arith.constant 2 : i32
        %mul3A_59 = arith.muli %mul3A_58, %scan3A_23 : i32
        %add3A_60 = arith.constant 2 : i32
        %add3A_61 = arith.addi %mul3A_59, %add3A_60 : i32
        %mul3A_62 = arith.constant 32 : i32
        %mul3A_63 = arith.muli %add3A_61, %mul3A_62 : i32
        %add3A_64 = arith.addi %add3A_4, %mul3A_63 : i32
        %dma_start3A_65 = arith.constant 0 : i32
        %dma_start3A_66 = tpu.memref_slice %arg2[%add3A_64, %dma_start3A_65] : memref<65536x1000xf32, #tpu.memory_space<hbm>> -> memref<32x1000xf32, #tpu.memory_space<hbm>>
        %dma_start3A_67 = arith.constant 0 : i32
        %dma_start3A_68 = tpu.memref_slice %arg2[%add3A_64, %dma_start3A_67] : memref<65536x1000xf32, #tpu.memory_space<hbm>> -> memref<32x1000xf32, #tpu.memory_space<hbm>>
        tpu.enqueue_dma source(%dma_start3A_68 : memref<32x1000xf32, #tpu.memory_space<hbm>>) target(%arg4 : memref<32x1000xf32, #tpu.memory_space<vmem>>) target_semaphore(%arg7 : memref<!tpu.dma_semaphore, #tpu.memory_space<semaphore_mem>>)
      } else {
      }
      %dma_wait3A_39 = arith.constant 0 : i32
      %dma_wait3A_40 = tpu.memref_slice %arg2[%add3A_4, %dma_wait3A_39] : memref<65536x1000xf32, #tpu.memory_space<hbm>> -> memref<32x1000xf32, #tpu.memory_space<hbm>>
      %dma_wait3A_41 = arith.constant 0 : i32
      %dma_wait3A_42 = tpu.memref_slice %arg2[%add3A_4, %dma_wait3A_41] : memref<65536x1000xf32, #tpu.memory_space<hbm>> -> memref<32x1000xf32, #tpu.memory_space<hbm>>
      tpu.wait_dma2 semaphore(%arg8 : memref<!tpu.dma_semaphore, #tpu.memory_space<semaphore_mem>>) src(%dma_wait3A_42 : memref<32x1000xf32, #tpu.memory_space<hbm>>) dst(%arg5 : memref<32x1000xf32, #tpu.memory_space<vmem>>)
      %get3A_43 = arith.constant 0 : i32
      %get3A_44 = arith.index_cast %get3A_43 : i32 to index
      %get3A_45 = arith.constant 0 : index
      %get3A_46 = tpu.vector_load %arg5[%get3A_44, %get3A_45] {strides = array<i32>} : memref<32x1000xf32, #tpu.memory_space<vmem>>, vector<1x16xf32>,
      %get3A_47 = vector.shape_cast %get3A_46 : vector<1x16xf32> to vector<16xf32>
      %add3A_48 = arith.addf %add3A_32, %get3A_47 : vector<16xf32>
      %mul3A_49 = arith.constant 2 : i32
      %mul3A_50 = arith.muli %mul3A_49, %scan3A_23 : i32
      %add3A_51 = arith.constant 3 : i32
      %add3A_52 = arith.addi %mul3A_50, %add3A_51 : i32
      %lt3A_53 = arith.constant 32 : i32
      %lt3A_54 = arith.cmpi slt, %add3A_52, %lt3A_53 : i32
      %convert_element_type3A_55 = arith.extui %lt3A_54 : i1 to i32
      %cond3A_56 = arith.constant 0 : i32
      %cond3A_57 = arith.cmpi ne, %convert_element_type3A_55, %cond3A_56 : i32
      scf.if %cond3A_57 {
        %mul3A_58 = arith.constant 2 : i32
        %mul3A_59 = arith.muli %mul3A_58, %scan3A_23 : i32
        %add3A_60 = arith.constant 3 : i32
        %add3A_61 = arith.addi %mul3A_59, %add3A_60 : i32
        %mul3A_62 = arith.constant 32 : i32
        %mul3A_63 = arith.muli %add3A_61, %mul3A_62 : i32
        %add3A_64 = arith.addi %add3A_4, %mul3A_63 : i32
        %dma_start3A_65 = arith.constant 0 : i32
        %dma_start3A_66 = tpu.memref_slice %arg2[%add3A_64, %dma_start3A_65] : memref<65536x1000xf32, #tpu.memory_space<hbm>> -> memref<32x1000xf32, #tpu.memory_space<hbm>>
        %dma_start3A_67 = arith.constant 0 : i32
        %dma_start3A_68 = tpu.memref_slice %arg2[%add3A_64, %dma_start3A_67] : memref<65536x1000xf32, #tpu.memory_space<hbm>> -> memref<32x1000xf32, #tpu.memory_space<hbm>>
        tpu.enqueue_dma source(%dma_start3A_68 : memref<32x1000xf32, #tpu.memory_space<hbm>>) target(%arg5 : memref<32x1000xf32, #tpu.memory_space<vmem>>) target_semaphore(%arg8 : memref<!tpu.dma_semaphore, #tpu.memory_space<semaphore_mem>>)
      } else {
      }
      scf.yield %add3A_48 : vector<16xf32>
    }
    %scan3A_19 = arith.constant 16 : i32
    %swap3A = arith.constant 0 : index
    %swap3A_20 = tpu.vector_load %arg6[%swap3A] {strides = array<i32>} : memref<16xf32, #tpu.memory_space<vmem>>, vector<16xf32>,
    %swap3A_21 = vector.shape_cast %swap3A_20 : vector<16xf32> to vector<16xf32>
    %swap3A_22 = vector.shape_cast %scan3A_18 : vector<16xf32> to vector<16xf32>
    tpu.vector_store %arg6[%swap3A], %swap3A_22 {strides = array<i32>} : memref<16xf32, #tpu.memory_space<vmem>>, vector<16xf32>,
    "tpu.region"() ({
      %run_scoped3A = tpu.sem_alloc : memref<!tpu.dma_semaphore, #tpu.memory_space<semaphore_mem>>
      %dma_start3A_23 = arith.constant 0 : i32
      %dma_start3A_24 = tpu.memref_slice %arg3[%add3A, %dma_start3A_23] : memref<32x16xf32, #tpu.memory_space<hbm>> -> memref<1x16xf32, #tpu.memory_space<hbm>>
      %dma_start3A_25 = tpu.memref_squeeze %dma_start3A_24 : memref<1x16xf32, #tpu.memory_space<hbm>> -> memref<16xf32, #tpu.memory_space<hbm>>
      %dma_start3A_26 = arith.constant 0 : i32
      %dma_start3A_27 = tpu.memref_slice %arg3[%add3A, %dma_start3A_26] : memref<32x16xf32, #tpu.memory_space<hbm>> -> memref<1x16xf32, #tpu.memory_space<hbm>>
      %dma_start3A_28 = tpu.memref_squeeze %dma_start3A_27 : memref<1x16xf32, #tpu.memory_space<hbm>> -> memref<16xf32, #tpu.memory_space<hbm>>
      tpu.enqueue_dma source(%arg6 : memref<16xf32, #tpu.memory_space<vmem>>) target(%dma_start3A_28 : memref<16xf32, #tpu.memory_space<hbm>>) target_semaphore(%run_scoped3A : memref<!tpu.dma_semaphore, #tpu.memory_space<semaphore_mem>>)
      %dma_wait3A = arith.constant 0 : i32
      %dma_wait3A_29 = tpu.memref_slice %arg3[%add3A, %dma_wait3A] : memref<32x16xf32, #tpu.memory_space<hbm>> -> memref<1x16xf32, #tpu.memory_space<hbm>>
      %dma_wait3A_30 = tpu.memref_squeeze %dma_wait3A_29 : memref<1x16xf32, #tpu.memory_space<hbm>> -> memref<16xf32, #tpu.memory_space<hbm>>
      %dma_wait3A_31 = arith.constant 0 : i32
      %dma_wait3A_32 = tpu.memref_slice %arg3[%add3A, %dma_wait3A_31] : memref<32x16xf32, #tpu.memory_space<hbm>> -> memref<1x16xf32, #tpu.memory_space<hbm>>
      %dma_wait3A_33 = tpu.memref_squeeze %dma_wait3A_32 : memref<1x16xf32, #tpu.memory_space<hbm>> -> memref<16xf32, #tpu.memory_space<hbm>>
      tpu.wait_dma2 semaphore(%run_scoped3A : memref<!tpu.dma_semaphore, #tpu.memory_space<semaphore_mem>>) src(%arg6 : memref<16xf32, #tpu.memory_space<vmem>>) dst(%dma_wait3A_33 : memref<16xf32, #tpu.memory_space<hbm>>)
      tpu.yield
    }) : () -> ()
    return
  }
}

module attributes {stable_mosaic.version = 14 : i64} {
  func.func @_tc_body(%arg0: i32, %arg1: memref<512x1000xf32, #tpu.memory_space<vmem>>, %arg2: memref<512x1000xf32, #tpu.memory_space<vmem>>, %arg3: memref<512x1000xf32, #tpu.memory_space<vmem>>, %arg4: memref<512x1000xf32, #tpu.memory_space<vmem>>, %arg5: memref<1x1x512xf32, #tpu.memory_space<vmem>>, %arg6: memref<1x1x512xf32, #tpu.memory_space<vmem>>, %arg7: memref<1x1x512xf32, #tpu.memory_space<vmem>>, %arg8: memref<1x1x512xf32, #tpu.memory_space<vmem>>) attributes {dimension_semantics = [#tpu.dimension_semantics<arbitrary>], iteration_bounds = array<i64: 16>, scalar_prefetch = 0 : i64, scratch_operands = 0 : i64, tpu.core_type = #tpu.core_type<tc>, window_params = [{transform_indices = @transform_0, window_bounds = array<i64: 512, 1000>}, {transform_indices = @transform_1, window_bounds = array<i64: 512, 1000>}, {transform_indices = @transform_2, window_bounds = array<i64: 512, 1000>}, {transform_indices = @transform_3, window_bounds = array<i64: 512, 1000>}, {transform_indices = @transform_4, window_bounds = array<i64: 1, 1, 512>}, {transform_indices = @transform_5, window_bounds = array<i64: 1, 1, 512>}, {transform_indices = @transform_6, window_bounds = array<i64: 1, 1, 512>}, {transform_indices = @transform_7, window_bounds = array<i64: 1, 1, 512>}]} {
    %get3A = arith.constant 0 : index
    %get3A_0 = arith.constant 0 : index
    %get3A_1 = vector.load %arg1[%get3A, %get3A_0] : memref<512x1000xf32, #tpu.memory_space<vmem>>, vector<512x1000xf32>
    %reduce_sum3A = arith.constant dense<0.000000e+00> : vector<512xf32>
    %reduce_sum3A_2 = vector.multi_reduction <add>, %get3A_1, %reduce_sum3A [1] : vector<512x1000xf32> to vector<512xf32>
    %swap3A = arith.constant 0 : index
    %swap3A_3 = arith.constant 0 : index
    %swap3A_4 = arith.constant 0 : index
    %swap3A_5 = vector.load %arg5[%swap3A, %swap3A_3, %swap3A_4] : memref<1x1x512xf32, #tpu.memory_space<vmem>>, vector<1x1x512xf32>
    %swap3A_6 = vector.shape_cast %swap3A_5 : vector<1x1x512xf32> to vector<512xf32>
    %swap3A_7 = vector.shape_cast %reduce_sum3A_2 : vector<512xf32> to vector<1x1x512xf32>
    tpu.vector_store %arg5[%swap3A, %swap3A_3, %swap3A_4], %swap3A_7 {strides = array<i32>} : memref<1x1x512xf32, #tpu.memory_space<vmem>>, vector<1x1x512xf32>,
    %get3A_8 = arith.constant 0 : index
    %get3A_9 = arith.constant 0 : index
    %get3A_10 = vector.load %arg2[%get3A_8, %get3A_9] : memref<512x1000xf32, #tpu.memory_space<vmem>>, vector<512x1000xf32>
    %reduce_sum3A_11 = arith.constant dense<0.000000e+00> : vector<512xf32>
    %reduce_sum3A_12 = vector.multi_reduction <add>, %get3A_10, %reduce_sum3A_11 [1] : vector<512x1000xf32> to vector<512xf32>
    %swap3A_13 = arith.constant 0 : index
    %swap3A_14 = arith.constant 0 : index
    %swap3A_15 = arith.constant 0 : index
    %swap3A_16 = vector.load %arg6[%swap3A_13, %swap3A_14, %swap3A_15] : memref<1x1x512xf32, #tpu.memory_space<vmem>>, vector<1x1x512xf32>
    %swap3A_17 = vector.shape_cast %swap3A_16 : vector<1x1x512xf32> to vector<512xf32>
    %swap3A_18 = vector.shape_cast %reduce_sum3A_12 : vector<512xf32> to vector<1x1x512xf32>
    tpu.vector_store %arg6[%swap3A_13, %swap3A_14, %swap3A_15], %swap3A_18 {strides = array<i32>} : memref<1x1x512xf32, #tpu.memory_space<vmem>>, vector<1x1x512xf32>,
    %get3A_19 = arith.constant 0 : index
    %get3A_20 = arith.constant 0 : index
    %get3A_21 = vector.load %arg3[%get3A_19, %get3A_20] : memref<512x1000xf32, #tpu.memory_space<vmem>>, vector<512x1000xf32>
    %reduce_sum3A_22 = arith.constant dense<0.000000e+00> : vector<512xf32>
    %reduce_sum3A_23 = vector.multi_reduction <add>, %get3A_21, %reduce_sum3A_22 [1] : vector<512x1000xf32> to vector<512xf32>
    %swap3A_24 = arith.constant 0 : index
    %swap3A_25 = arith.constant 0 : index
    %swap3A_26 = arith.constant 0 : index
    %swap3A_27 = vector.load %arg7[%swap3A_24, %swap3A_25, %swap3A_26] : memref<1x1x512xf32, #tpu.memory_space<vmem>>, vector<1x1x512xf32>
    %swap3A_28 = vector.shape_cast %swap3A_27 : vector<1x1x512xf32> to vector<512xf32>
    %swap3A_29 = vector.shape_cast %reduce_sum3A_23 : vector<512xf32> to vector<1x1x512xf32>
    tpu.vector_store %arg7[%swap3A_24, %swap3A_25, %swap3A_26], %swap3A_29 {strides = array<i32>} : memref<1x1x512xf32, #tpu.memory_space<vmem>>, vector<1x1x512xf32>,
    %get3A_30 = arith.constant 0 : index
    %get3A_31 = arith.constant 0 : index
    %get3A_32 = vector.load %arg4[%get3A_30, %get3A_31] : memref<512x1000xf32, #tpu.memory_space<vmem>>, vector<512x1000xf32>
    %reduce_sum3A_33 = arith.constant dense<0.000000e+00> : vector<512xf32>
    %reduce_sum3A_34 = vector.multi_reduction <add>, %get3A_32, %reduce_sum3A_33 [1] : vector<512x1000xf32> to vector<512xf32>
    %swap3A_35 = arith.constant 0 : index
    %swap3A_36 = arith.constant 0 : index
    %swap3A_37 = arith.constant 0 : index
    %swap3A_38 = vector.load %arg8[%swap3A_35, %swap3A_36, %swap3A_37] : memref<1x1x512xf32, #tpu.memory_space<vmem>>, vector<1x1x512xf32>
    %swap3A_39 = vector.shape_cast %swap3A_38 : vector<1x1x512xf32> to vector<512xf32>
    %swap3A_40 = vector.shape_cast %reduce_sum3A_34 : vector<512xf32> to vector<1x1x512xf32>
    tpu.vector_store %arg8[%swap3A_35, %swap3A_36, %swap3A_37], %swap3A_40 {strides = array<i32>} : memref<1x1x512xf32, #tpu.memory_space<vmem>>, vector<1x1x512xf32>,
    return
  }
  func.func @transform_0(%arg0: i32) -> (i32, i32) {
    %add3A = arith.constant 0 : i32
    %add3A_0 = arith.addi %arg0, %add3A : i32
    %c0_i32 = arith.constant 0 : i32
    %c0_i32_1 = arith.constant 0 : i32
    return %add3A_0, %c0_i32 : i32, i32
  }
  func.func @transform_1(%arg0: i32) -> (i32, i32) {
    %add3A = arith.constant 16 : i32
    %add3A_0 = arith.addi %arg0, %add3A : i32
    %c0_i32 = arith.constant 0 : i32
    %c0_i32_1 = arith.constant 0 : i32
    return %add3A_0, %c0_i32 : i32, i32
  }
  func.func @transform_2(%arg0: i32) -> (i32, i32) {
    %add3A = arith.constant 32 : i32
    %add3A_0 = arith.addi %arg0, %add3A : i32
    %c0_i32 = arith.constant 0 : i32
    %c0_i32_1 = arith.constant 0 : i32
    return %add3A_0, %c0_i32 : i32, i32
  }
  func.func @transform_3(%arg0: i32) -> (i32, i32) {
    %add3A = arith.constant 48 : i32
    %add3A_0 = arith.addi %arg0, %add3A : i32
    %c0_i32 = arith.constant 0 : i32
    %c0_i32_1 = arith.constant 0 : i32
    return %add3A_0, %c0_i32 : i32, i32
  }
  func.func @transform_4(%arg0: i32) -> (i32, i32, i32) {
    %c0_i32 = arith.constant 0 : i32
    %c0_i32_0 = arith.constant 0 : i32
    %c0_i32_1 = arith.constant 0 : i32
    return %arg0, %c0_i32, %c0_i32_0 : i32, i32, i32
  }
  func.func @transform_5(%arg0: i32) -> (i32, i32, i32) {
    %c0_i32 = arith.constant 0 : i32
    %c0_i32_0 = arith.constant 0 : i32
    %c0_i32_1 = arith.constant 0 : i32
    return %arg0, %c0_i32, %c0_i32_0 : i32, i32, i32
  }
  func.func @transform_6(%arg0: i32) -> (i32, i32, i32) {
    %c0_i32 = arith.constant 0 : i32
    %c0_i32_0 = arith.constant 0 : i32
    %c0_i32_1 = arith.constant 0 : i32
    return %arg0, %c0_i32, %c0_i32_0 : i32, i32, i32
  }
  func.func @transform_7(%arg0: i32) -> (i32, i32, i32) {
    %c0_i32 = arith.constant 0 : i32
    %c0_i32_0 = arith.constant 0 : i32
    %c0_i32_1 = arith.constant 0 : i32
    return %arg0, %c0_i32, %c0_i32_0 : i32, i32, i32
  }
}

</mosaic_0001>

<sc_bundles>
// kernel: kernel.4.cloned.1.call-start
scs
__scs_entry_jumppad:
0x0: {  	(pc) =	sbr.rel $0x88, $3  }
0x1: {  	(tag) =	ssettag $0x0;
	lr =	simm.s32 $0x1  }
0x2: {  	[smem:$0x3F9F] =	sst lr;
	_ =	strace $0xD0000000  }
0x3: {  	_ = 	snop  }
0x4: {  	_ = 	snop  }
0x5: {  	_ = 	snop  }
0x6: {  	_ = 	snop  }
0x7: {  	_ = 	snop  }
__scs_overlays_trampoline_lowered:
0x8: {  	[smem:$0x3FAE] =	sst s0  }
0x9: {  	[smem:$0x3FAF] =	sst s1  }
0xa: {  	[smem:$0x3FB0] =	sst s2  }
0xb: {  	[smem:$0x3FB1] =	sst s3  }
0xc: {  	[smem:$0x3FB2] =	sst s4  }
0xd: {  	[smem:$0x3FB3] =	sst s5  }
0xe: {  	[smem:$0x3FB4] =	sst s6  }
0xf: {  	[smem:$0x3FB5] =	sst s7  }
0x10: {  	[smem:$0x3FB6] =	sst s8  }
0x11: {  	[smem:$0x3FB7] =	sst s9;
	s0 =	simm.s32 @!p0 $0x0  }
0x12: {  	s1 =	sld [smem:$0x3F9D];
	s0 =	simm.s32 @p0 $0x1  }
0x13: {  	[smem:$0x3FB8] =	sst s0;
	s0 =	simm.s32 @!p1 $0x0  }
0x14: {  	s2 =	sld [smem:$0x3F9C];
	s0 =	simm.s32 @p1 $0x1  }
0x15: {  	[smem:$0x3FB9] =	sst s0;
	s0 =	simm.s32 @!p2 $0x0  }
0x16: {  	s3 =	sld [smem:$0x3FDB];
	s0 =	simm.s32 @p2 $0x1  }
0x17: {  	s4 =	simm.s32 $0x1BF5;
	[smem:$0x3FBB] =	sst s0  }
0x18: {  	s0 =	sld [smem:$0x3F9E];
	_ =	swait.ge [sflag:s4], $0x0  }
0x19: {  	s7 =	sld [smem:$0x3F9F]  }
0x1a: {  	s8 =	sadd.s32 $0xFFFFE003, lr  }
0x1b: {  	s9 =	sadd.s32 $0xFFFFFEF7, lr;
	s5 =	simm.s32 $0xFFFFFFFF;
	p2 =	slt.u32 s8, $0xFFFFF086  }
0x1c: {  	p1 =	slt.u32 s9, $0xF7A;
	s5 =	simm.s32 @!p2 $0x0  }
0x1d: {  	s5 =	simm.s32 @p1 $0x1;
	p0 =	seq.s32 s7, s2  }
0x1e: {  	s7 =	smul.u32 @!p0 $0xF7A, s2;
	p2 =	seq.s32 @!p0 s5, $0x0  }
0x1f: {  	s9 =	smul.u32 $0xF7A, s1;
	s8 =	simm.s32 @!p0 $0x1BF5;
	p2 =	por !p2, p0  }
0x20: {  	[sflag:s8] =	ssyncset.s32 @!p0 $0xFFFFF086;
	s6 =	sadd.s32 @!p0 s3, s7;
	s7 =	simm.s32 @!p0 $0x108  }
0x21: {  	s3 =	sadd.s32 s3, s9;
	s6 =	sadd.s32 @!p0 $0x88, s6;
	s7 =	simm.s32 @p2 $0x1082  }
0x22: {  	[simem:s7], [sflag:s8] =	dma.local @!p0 [hbm:s6], $0xF7A  }
0x23: {  	s9 =	sor.u32 $0xD0000000, s2;
	s6 =	simm.s32 $0x108;
	_ =	swait.ge @!p0 [sflag:s8], $0x0  }
0x24: {  	s3 =	sadd.s32 $0x88, s3;
	s6 =	simm.s32 @!p1 $0x1082;
	[sflag:s4] =	ssyncset.s32 $0xFFFFF086  }
0x25: {  	[simem:s6], [sflag:s4] =	dma.local [hbm:s3], $0xF7A  }
0x26: {  	[smem:$0x3F9F] =	sst s1;
	(tag) =	ssettag s2;
	_ =	strace s9  }
0x27: {  	s1 =	sld [smem:$0x3FAF]  }
0x28: {  	s2 =	sld [smem:$0x3FB0]  }
0x29: {  	s4 =	sld [smem:$0x3FB2]  }
0x2a: {  	p0 =	seq.s32 s5, $0x0;
	s5 =	sld [smem:$0x3FB3]  }
0x2b: {  	s6 =	sld [smem:$0x3FB4]  }
0x2c: {  	s7 =	sld [smem:$0x3FB5]  }
0x2d: {  	s3 =	simm.s32 $0x108;
	s8 =	sld [smem:$0x3FB6]  }
0x2e: {  	s3 =	simm.s32 @!p0 $0x1082;
	s9 =	sld [smem:$0x3FB7]  }
0x2f: {  	lr =	sadd.s32 s0, s3;
	s0 =	sld [smem:$0x3FAE]  }
0x30: {  	s3 =	sld [smem:$0x3FB1]  }
0x31: {  	[smem:$0x3FBA] =	sst s10  }
0x32: {  	s10 =	sld [smem:$0x3FB8];
	_ =	sdelay $0x3  }
0x33: {  	p0 =	seq.s32 s10, $0x1;
	s10 =	sld [smem:$0x3FBA];
	_ =	sdelay $0x3  }
0x34: {  	[smem:$0x3FBA] =	sst s10  }
0x35: {  	s10 =	sld [smem:$0x3FB9];
	_ =	sdelay $0x3  }
0x36: {  	p1 =	seq.s32 s10, $0x1;
	s10 =	sld [smem:$0x3FBA];
	_ =	sdelay $0x3  }
0x37: {  	[smem:$0x3FBA] =	sst s10  }
0x38: {  	s10 =	sld [smem:$0x3FBB]  }
0x39: {  	_ = 	snop;
	(pc) =	sbr.ind lr, $3  }
0x3a: {  	_ = 	snop  }
0x3b: {  	_ = 	snop  }
0x3c: {  	p2 =	seq.s32 s10, $0x1;
	s10 =	sld [smem:$0x3FBA]  }
0x3d: {  	_ =	shalt  }
0x3e: {  	_ =	shalt  }
0x3f: {  	_ =	shalt  }
0x40: {  	_ =	shalt  }
0x41: {  	_ =	shalt  }
0x42: {  	_ =	shalt  }
0x43: {  	_ =	shalt  }
0x44: {  	_ =	shalt  }
0x45: {  	_ =	shalt  }
0x46: {  	_ =	shalt  }
0x47: {  	_ =	shalt  }
0x48: {  	_ =	shalt  }
0x49: {  	_ =	shalt  }
0x4a: {  	_ =	shalt  }
0x4b: {  	_ =	shalt  }
0x4c: {  	_ =	shalt  }
0x4d: {  	_ =	shalt  }
0x4e: {  	_ =	shalt  }
0x4f: {  	_ =	shalt  }
0x50: {  	_ =	shalt  }
0x51: {  	_ =	shalt  }
0x52: {  	_ =	shalt  }
0x53: {  	_ =	shalt  }
0x54: {  	_ =	shalt  }
0x55: {  	_ =	shalt  }
0x56: {  	_ =	shalt  }
0x57: {  	_ =	shalt  }
0x58: {  	_ =	shalt  }
0x59: {  	_ =	shalt  }
0x5a: {  	_ =	shalt  }
0x5b: {  	_ =	shalt  }
0x5c: {  	_ =	shalt  }
0x5d: {  	_ =	shalt  }
0x5e: {  	_ =	shalt  }
0x5f: {  	_ =	shalt  }
0x60: {  	_ =	shalt  }
0x61: {  	_ =	shalt  }
0x62: {  	_ =	shalt  }
0x63: {  	_ =	shalt  }
0x64: {  	_ =	shalt  }
0x65: {  	_ =	shalt  }
0x66: {  	_ =	shalt  }
0x67: {  	_ =	shalt  }
0x68: {  	_ =	shalt  }
0x69: {  	_ =	shalt  }
0x6a: {  	_ =	shalt  }
0x6b: {  	_ =	shalt  }
0x6c: {  	_ =	shalt  }
0x6d: {  	_ =	shalt  }
0x6e: {  	_ =	shalt  }
0x6f: {  	_ =	shalt  }
0x70: {  	_ =	shalt  }
0x71: {  	_ =	shalt  }
0x72: {  	_ =	shalt  }
0x73: {  	_ =	shalt  }
0x74: {  	_ =	shalt  }
0x75: {  	_ =	shalt  }
0x76: {  	_ =	shalt  }
0x77: {  	_ =	shalt  }
0x78: {  	_ =	shalt  }
0x79: {  	_ =	shalt  }
0x7a: {  	_ =	shalt  }
0x7b: {  	_ =	shalt  }
0x7c: {  	_ =	shalt  }
0x7d: {  	_ =	shalt  }
0x7e: {  	_ =	shalt  }
0x7f: {  	_ =	shalt  }
0x80: {  	_ =	shalt  }
0x81: {  	_ =	shalt  }
0x82: {  	_ =	shalt  }
0x83: {  	_ =	shalt  }
0x84: {  	_ =	shalt  }
0x85: {  	_ =	shalt  }
0x86: {  	_ =	shalt  }
0x87: {  	_ =	shalt  }
.Lfunc_end0:
.L_simem_size_0:
called_computation_lowered:
.L_overlay_start_0:
0x88: {  	s2 =	sld [smem:$0x3FD9]  }
0x89: {  	s3 =	sld [smem:$0x3FFE];
	_ =	sdelay $0x1  }
0x8a: {  	s1 =	srdreg.scid  }
0x8b: {  	s0 =	sand.u32 $0x1, s1  }
0x8c: {  	s16 =	sshll.u32 s0, $0xA;
	s2 =	sadd.s32 s3, s2  }
0x8d: {  	s2 =	sadd.s32 s2, s16  }
0x8e: {  	[smem:$0x3FC6] =	sst s2  }
0x8f: {  	_ = 	snop  }
0x90: {  	(tm) =	ssettm $0x1  }
0x91: {  	s17 =	sld [smem:$0x3FFB];
	_ =	sdelay $0x3  }
0x92: {  	_ =	strace s17  }
0x93: {  	s2 =	sld [smem:$0x3FFC];
	_ =	sdelay $0x3  }
0x94: {  	_ =	strace s2  }
0x95: {  	s2 =	sld [smem:$0x3FFD];
	_ =	sdelay $0x3  }
0x96: {  	_ =	strace s2  }
0x97: {  	_ =	strace $0x8FFFFFFF  }
0x98: {  	s18 =	sld [smem:$0x3FDB];
	_ =	sdelay $0x1  }
0x99: {  	s19 =	simm.s32 $_scs_section_size  }
0x9a: {  	s4 =	simm.s32 $_size__tile_overlayer_lowered;
	s5 =	simm.s32 $_tile_overlayer_lowered  }
0x9b: {  	s22 =	simm.s32 $0x1BFF;
	s21 =	sshll.u32 s5, $0x1;
	s2 =	sadd.s32 s19, s18  }
0x9c: {  	s6 =	simm.s32 $0x0;
	s20 =	sshll.u32 s4, $0x1;
	s4 =	sadd.s32 s21, s2  }
0x9d: {  	[timem:s6], [sflag:s22] =	dma.local [hbm:s4], s20  }
0x9e: {  	_ =	swait.ge [sflag:s22], s20  }
0x9f: {  	s3 =	ssub.s32 $0x0, s20;
	[sflag:s22] =	ssyncset.done $0x0  }
0xa0: {  	[sflag:s22] =	ssyncadd.s32 s3;
	_ =	sdelay $0x1  }
0xa1: {  	s23 =	simm.s32 $0x1B8B  }
0xa2: {  	_ =	swait.ge [sflag:s23], $0x1  }
0xa3: {  	[sflag:s23] =	ssyncset.done $0x0  }
0xa4: {  	s25 =	simm.s32 $0x1B8E;
	s24 =	sld [smem:$0x3FFE];
	[sflag:s23] =	ssyncadd.s32 $0xFFFFFFFF  }
0xa5: {  	s26 =	simm.s32 $execute0_lowered;
	[smem:$0x3FD2] =	sst s25  }
0xa6: {  	s4 =	sshll.u32 s26, $0x1;
	_ =	strace $0x80000046;
	[dreg:$0x1] =	wrdreg $0xFFFFFFFF  }
0xa7: {  	s28 =	simm.s32 $_size_execute0_lowered;
	s2 =	sadd.s32 s2, s4;
	[dreg:$0x0] =	wrdreg $0x0  }
0xa8: {  	s4 =	sshll.u32 s28, $0x1;
	[dreg:$0x2] =	wrdreg s2  }
0xa9: {  	[dreg:$0x3] =	wrdreg s4  }
0xaa: {  	[dreg:$0x4] =	wrdreg $0xC0  }
0xab: {  	_ =	task [dreg:s6], $0x5FFFF  }
0xac: {  	[dreg:$0x1] =	wrdreg $0xFFFFFFFF  }
0xad: {  	[dreg:$0x0] =	wrdreg $0x60  }
0xae: {  	[dreg:$0x2] =	wrdreg s24  }
0xaf: {  	[dreg:$0x3] =	wrdreg $0x9  }
0xb0: {  	_ =	task.clear_ibuf [dreg:s6], $0x4FFFF;
	_ =	strace $0x90000046  }
0xb1: {  	s29 =	simm.s32 $0x9;
	_ =	strace $0x80000048  }
0xb2: {  	_ =	swait.ge [sflag:s29], $0x1  }
0xb3: {  	[sflag:s29] =	ssyncadd.s32 $0xFFFFFFFF  }
0xb4: {  	_ =	strace $0x90000048  }
0xb5: {  	_ =	sfence  }
0xb6: {  	s30 =	sld [smem:$0x0];
	_ =	sdelay $0x2  }
0xb7: {  	s31 =	sshll.u32 s1, $0xD;
	s1 =	sshrl.u32 s1, $0x2  }
0xb8: {  	s3 =	sand.u32 $0x4000, s31;
	s1 =	sadd.s32 s1, s30  }
0xb9: {  	s0 =	sor.u32 s3, s0;
	s1 =	sshll.u32 s1, $0x11  }
0xba: {  	s0 =	sor.u32 s1, s0  }
0xbb: {  	s0 =	sadd.s32 $0x8F2B, s0  }
0xbc: {  	[sflag:s0] =	ssyncadd.remote.s32 $0x1  }
0xbd: {  	_ =	sfence.sel $0xFFFF  }
0xbe: {  	[dreg:$0x0] =	wrdreg $0xFFFFFFFF;
	(pc) =	sbr.abs _section_cstart, $3  }
0xbf: {  	[dreg:$0x1] =	wrdreg $0xFFFFFFFF  }
0xc0: {  	_ =	task.clear_ibuf [dreg:s6], $0x2FFFF;
	_ =	strace $0x9FFFFFFF  }
0xc1: {  	(tm) =	ssettm $0x7FFFFFFF  }
tec
execute0_lowered:
.L_overlay_start_1:
0x0: {  	(tag) =	ssettag $0x1  }
0x1: {  	s5 =	rddreg [dreg:$0x0]  }
0x2: {  	s0 =	rddreg [dreg:$0x1];
	s2 =	simm.s32 $0x0;
	s3 =	srdreg.scid  }
0x3: {  	s1 =	stileid.u32;
	s11 =	simm.s32 $0x10000;
	s12 =	simm.s32 $0x3  }
0x4: {  	s13 =	simm.s32 $0x0;
	[smem:$0x7FF] =	sst s2;
	s6 =	sand.u32 $0x1, s3  }
0x5: {  	s28 =	sshll.u32 s1, $0x1;
	s10 =	sshll.u32 s1, $0x12;
	_ =	strace $0x80000047  }
0x6: {  	s3 =	sor.u32 s6, s28;
	s7 =	ssub.s32 $0x2, s6;
	s30 =	sadd.s32 s10, s5  }
0x7: {  	s31 =	sshll.u32 s6, $0x11;
	s4 =	sshll.u32 s3, $0x4;
	s3 =	sshll.u32 s3, $0x11  }
0x8: {  	s10 =	simm.s32 $0x2;
	s29 =	sshrl.u32 s7, $0x1;
	s9 =	sadd.s32 s3, s5  }
0x9: {  	s8 =	sadd.s32 s4, s5;
	s7 =	ssub.s32 s7, s29;
	s3 =	sadd.s32 $0x400000, s9  }
0xa: {  	s4 =	sadd.s32 $0x401000, s9;
	s5 =	sadd.s32 $0x800000, s8;
	s6 =	smax.u32 s7, $0x1  }
0xb: {  	s7 =	sadd.s32 s31, s30;
	s8 =	simm.s32 $0x8000;
	s9 =	simm.s32 $0x1  }
.LBB2_1:
0xc: {  	[tilespmem:s2], [sflag:$0x1] =	stream.linear.gather [hbm4b:s3+s2], $0x8000, $0x38;
	[tilespmem:$0x10080] =	vst v63  }
0xd: {  	_ = 	snop  }
0xe: {  	[tilespmem:s8], [sflag:$0x2] =	stream.linear.gather [hbm4b:s4+s2], $0x8000, $0x38;
	[tilespmem:$0x10080] =	vst v63  }
0xf: {  	_ =	swait.ge [sflag:s9], $0x8000  }
0x10: {  	s14 =	sadd.s32 $0xFFFE2000, s7;
	[sflag:s9] =	ssyncset.done $0x0  }
0x11: {  	s15 =	sadd.s32 $0x420000, s14;
	[sflag:s9] =	ssyncadd.s32 $0xFFFF8000  }
0x12: {  	v1 =	vld [tilespmem:$0x0];
	[tilespmem:s2], [sflag:$0x1] =	stream.linear.gather [hbm4b:s15+s2], $0x8000, $0x38  }
0x13: {  	_ =	swait.ge [sflag:s10], $0x8000  }
0x14: {  	[sflag:s10] =	ssyncset.done $0x0  }
0x15: {  	s14 =	sadd.s32 $0x421000, s14;
	[sflag:s10] =	ssyncadd.s32 $0xFFFF8000  }
0x16: {  	v0 =	vld [tilespmem:$0x8000];
	[tilespmem:s8], [sflag:$0x2] =	stream.linear.gather [hbm4b:s14+s2], $0x8000, $0x38  }
0x17: {  	_ =	swait.ge [sflag:s9], $0x8000  }
0x18: {  	v2 =	vimm.f32 $0.0e+00;
	[sflag:s9] =	ssyncset.done $0x0  }
0x19: {  	s15 =	sadd.s32 $0xFFFE4000, s7;
	s14 =	simm.s32 $0xFFFE6000;
	v1 =	vadd.f32 v1, v2;
	[sflag:s9] =	ssyncadd.s32 $0xFFFF8000  }
.LBB2_2:
0x1a: {  	p0 =	sne.s32 s14, $0xFFFFE000  }
0x1b: {  	v2 =	vld [tilespmem:$0x0];
	s16 =	sadd.s32 $0x420000, s15;
	v1 =	vadd.f32 v0, v1;
	s17 =	smov.u32 s14;
	s14 =	sadd.s32 $0x2000, s14  }
0x1c: {  	[tilespmem:s2], [sflag:$0x1] =	stream.linear.gather [hbm4b:s16+s2], $0x8000, $0x38;
	[tilespmem:$0x10080] =	vst v63  }
0x1d: {  	_ =	swait.ge [sflag:s10], $0x8000  }
0x1e: {  	[sflag:s10] =	ssyncset.done $0x0  }
0x1f: {  	[sflag:s10] =	ssyncadd.s32 $0xFFFF8000  }
.Ltmp0:
0x20: {  	s15 =	sadd.s32 $0x421000, s15;
	v0 =	vld [tilespmem:$0x8000];
	(pc) =	sbr.rel @p0 .LBB2_2-.Ltmp0, $4  }
0x21: {  	[tilespmem:s8], [sflag:$0x2] =	stream.linear.gather [hbm4b:s15+s2], $0x8000, $0x38;
	[tilespmem:$0x10080] =	vst v63  }
0x22: {  	_ =	swait.ge [sflag:s9], $0x8000  }
0x23: {  	v1 =	vadd.f32 v2, v1;
	[sflag:s9] =	ssyncset.done $0x0  }
0x24: {  	s15 =	sadd.s32 s17, s7;
	[sflag:s9] =	ssyncadd.s32 $0xFFFF8000  }
0x25: {  	s14 =	sadd.s32 $0x420000, s15  }
0x26: {  	v2 =	vld [tilespmem:$0x0];
	[tilespmem:s2], [sflag:$0x1] =	stream.linear.gather [hbm4b:s14+s2], $0x8000, $0x38  }
0x27: {  	_ =	swait.ge [sflag:s10], $0x8000  }
0x28: {  	[sflag:s10] =	ssyncset.done $0x0  }
0x29: {  	s31 =	sadd.s32 $0x421000, s15;
	[sflag:s10] =	ssyncadd.s32 $0xFFFF8000  }
0x2a: {  	v3 =	vld [tilespmem:$0x8000];
	[tilespmem:s8], [sflag:$0x2] =	stream.linear.gather [hbm4b:s31+s2], $0x8000, $0x38  }
0x2b: {  	_ =	swait.ge [sflag:s9], $0x8000  }
0x2c: {  	[sflag:s9] =	ssyncset.done $0x0  }
0x2d: {  	[sflag:s9] =	ssyncadd.s32 $0xFFFF8000  }
0x2e: {  	v0 =	vadd.f32 v0, v1;
	v4 =	vld [tilespmem:$0x0];
	_ =	swait.ge [sflag:s10], $0x8000  }
0x2f: {  	[sflag:s10] =	ssyncset.done $0x0  }
0x30: {  	v0 =	vadd.f32 v2, v0;
	[sflag:s10] =	ssyncadd.s32 $0xFFFF8000  }
0x31: {  	v63 =	vld [tilespmem:$0x8000]  }
0x32: {  	v0 =	vadd.f32 v3, v0;
	_ =	sdelay $0x1  }
0x33: {  	v0 =	vadd.f32 v4, v0;
	_ =	sdelay $0x1  }
0x34: {  	s13 =	sadd.s32 $0x1, s13;
	v0 =	vadd.f32 v63, v0  }
0x35: {  	p0 =	sne.s32 s13, s6  }
.Ltmp1:
0x36: {  	[tilespmem:$0x10000] =	vst v0;
	(pc) =	sbr.rel @p0 .LBB2_1-.Ltmp1, $4  }
0x37: {  	[hbm4b:s5+s2] =	stream.linear.scatter [tilespmem:s11], [sflag:$0x3], $0x80, $0x38;
	[tilespmem:$0x10080] =	vst v63  }
0x38: {  	_ =	swait.ge [sflag:s12], $0x80  }
0x39: {  	[sflag:s12] =	ssyncset.done $0x0  }
0x3a: {  	[sflag:s12] =	ssyncadd.s32 $0xFFFFFF80  }
0x3b: {  	_ =	sfence.sel $0x180000  }
0x3c: {  	[bflag:$0x0] =	sbarrier.arrive $0xFFFF  }
0x3d: {  	p0 =	sne.s32 s1, $0x0;
	_ =	strace $0x90000047  }
0x3e: {  	s0 =	sadd.s32 @!p0 $0x100000, s0;
	[bflag:$0x2] =	sbarrier.arrive $0xFFFF  }
0x3f: {  	[sflag:s0] =	ssyncadd.tile.s32 @!p0 $0x1;
	_ =	shalt  }
.Lfunc_end2:
_tile_overlayer_lowered:
.L_overlay_start_2:
0x40: {  	(tag) =	ssettag $0x2  }
0x41: {  	s0 =	rddreg [dreg:$0x0];
	s2 =	stileid.u32  }
0x42: {  	s1 =	rddreg [dreg:$0x1];
	p0 =	sne.s32 s2, $0x0  }
0x43: {  	s3 =	rddreg [dreg:$0x2];
	[bflag:$0x3] =	sbarrier.arrive $0xFFFF;
	s2 =	simm.s32 @!p0 $0x1C03  }
0x44: {  	[timem:s3], [sflag:s2] =	dma.local @!p0 [hbm:s0], s1  }
0x45: {  	s0 =	simm.s32 @!p0 $0x3  }
0x46: {  	_ =	swait.ge @!p0 [sflag:s0], s1  }
0x47: {  	s1 =	ssub.s32 @!p0 $0x0, s1;
	[sflag:s0] =	ssyncset.done @!p0 $0x0  }
0x48: {  	[sflag:s0] =	ssyncadd.s32 @!p0 s1  }
0x49: {  	[bflag:$0x3] =	sbarrier.arrive $0xFFFF  }
0x4a: {  	_ =	shalt  }

</sc_bundles>
